<compile_context>
chip_gen: v7x
topology: tpu7x:2x2x1
jax: 0.10.2.dev20260603
libtpu: 0.0.44.dev20260713+nightly
codegen_flags: <defaults>
</compile_context>

<pallas_src>
import jax
import jax.numpy as jnp
from jax import lax
from jax.experimental import pallas as pl
from jax.experimental.pallas import tpu as pltpu
from jax.experimental.pallas import tpu_sc as plsc

NUM_FIELDS = 26
FIELD_SIZE = 100000
BATCH = 16384
EMBED_DIM = 16
LANES = 16
NROW = FIELD_SIZE * NUM_FIELDS
B_FLAT = BATCH * NUM_FIELDS

NC, NS = 2, 16
NW = NC * NS
BLK = 512
CT = BLK // 128
NTASK = NUM_FIELDS * (BATCH // BLK)
TASKS_PER_W = NTASK // NW


def _sc_body(idx_hbm, table_hbm, out_hbm, idx_v, rows_v, buf_v, sem):
    wid = lax.axis_index("s") * NC + lax.axis_index("c")
    iota = lax.iota(jnp.int32, LANES)

    def task_body(k, carry):
        t = k * NW + wid
        f = t // (BATCH // BLK)
        b0 = (t % (BATCH // BLK)) * BLK
        pltpu.sync_copy(idx_hbm.at[pl.ds(f * BATCH + b0, BLK)], idx_v)
        off = f * FIELD_SIZE

        def add_body(i, carry2):
            sl = pl.ds(i * LANES, LANES)
            idx_v[sl] = idx_v[sl] + off
            return carry2

        lax.fori_loop(0, BLK // LANES, add_body, 0, unroll=False)
        pltpu.async_copy(table_hbm.at[idx_v], rows_v, sem).wait()

        def grp_body(g, carry2):
            g16 = g * LANES
            row_idx = g16 + iota
            ct = g16 // 128
            bl = g16 % 128
            for d in range(EMBED_DIM):
                v = plsc.load_gather(rows_v, [row_idx, iota * 0 + d])
                buf_v[d // 8, ct, d % 8, pl.ds(bl, LANES)] = v
            return carry2

        lax.fori_loop(0, BLK // LANES, grp_body, 0, unroll=False)
        pltpu.sync_copy(
            buf_v, out_hbm.at[f, :, pl.ds(b0 // 128, CT), :, :])
        return carry

    lax.fori_loop(0, TASKS_PER_W, task_body, 0, unroll=False)


def kernel(x, table):
    idx_flat = x.T.reshape(B_FLAT)
    out5 = pl.kernel(
        _sc_body,
        out_type=jax.ShapeDtypeStruct((NUM_FIELDS, 2, BATCH // 128, 8, 128),
                                      jnp.float32),
        mesh=plsc.VectorSubcoreMesh(
            core_axis_name="c", subcore_axis_name="s",
            num_cores=NC, num_subcores=NS),
        scratch_types=[
            pltpu.VMEM((BLK,), jnp.int32),
            pltpu.VMEM((BLK, EMBED_DIM), jnp.float32),
            pltpu.VMEM((2, CT, 8, 128), jnp.float32),
            pltpu.SemaphoreType.DMA,
        ],
        compiler_params=pltpu.CompilerParams(
            use_tc_tiling_on_sc=False, needs_layout_passes=False),
    )(idx_flat, table)
    out = out5.transpose(2, 4, 0, 1, 3).reshape(BATCH, NUM_FIELDS, EMBED_DIM)
    return out

# --- scband reference (transcript-rebuilt; emitter-appended) ---
"""Pipeline reference for scband-features-embedding-31516470018422 (READ-ONLY COPY).

The authoritative reference and input builder live on the scoring server;
editing this copy changes nothing except your own understanding.
"""

import jax, jax.numpy as jnp
import numpy as np

FIELD_DIMS = [100000] * 26
EMBED_DIM = 16
BATCH = 16384


def setup_inputs(seed: int = 0) -> dict:
    key = jax.random.key(seed)
    k1, k2 = jax.random.split(key)
    x = jax.random.randint(k1, (BATCH, len(FIELD_DIMS)), 0, 100000, dtype=jnp.int32)
    num_embeddings = int(sum(FIELD_DIMS))
    # xavier_uniform init for the embedding table
    bound = float(np.sqrt(6.0 / (num_embeddings + EMBED_DIM)))
    table = jax.random.uniform(k2, (num_embeddings, EMBED_DIM), dtype=jnp.float32, minval=-bound, maxval=bound)
    return {"x": x, "table": table}


def reference(x, table):
    # offsets = (0, cumsum(field_dims)[:-1])
    offsets = jnp.asarray(np.array((0, *np.cumsum(FIELD_DIMS)[:-1]), dtype=np.int32))
    shifted = x + offsets[None, :]
    # embedding lookup -> (batch, num_fields, embed_dim)
    return jnp.take(table, shifted, axis=0)

if __name__ == "__main__":
    import jax
    _d = setup_inputs()
    print(jax.jit(kernel)(*tuple(_d.values())))

</pallas_src>

<mosaic_0001>
#map = affine_map<(d0, d1) -> (0)>
#map1 = affine_map<(d0, d1) -> (0, 0)>
#map2 = affine_map<(d0, d1) -> (0, 0, 0, 0, 0)>
module attributes {stable_mosaic.version = 14 : i64} {
  func.func @_sc_body(%arg0: i32, %arg1: i32, %arg2: memref<425984xi32, #tpu.memory_space<hbm>>, %arg3: memref<2600000x16xf32, #tpu.memory_space<hbm>>, %arg4: memref<26x2x128x8x128xf32, #tpu.memory_space<hbm>>, %arg5: memref<512xi32, #tpu.memory_space<vmem>>, %arg6: memref<512x16xf32, #tpu.memory_space<vmem>>, %arg7: memref<2x4x8x128xf32, #tpu.memory_space<vmem>>, %arg8: memref<!tpu.dma_semaphore, #tpu.memory_space<semaphore_mem>>) attributes {dimension_semantics = [#tpu.dimension_semantics<core_parallel>, #tpu.dimension_semantics<subcore_parallel>], iteration_bounds = array<i64: 2, 16>, scalar_prefetch = 0 : i64, scratch_operands = 4 : i64, tpu.core_type = #tpu.core_type<sc_vector_subcore>, window_params = [{transform_indices = #map}, {transform_indices = #map1}, {transform_indices = #map2}]} {
    %mul3A = arith.constant 2 : i32
    %mul3A_0 = arith.muli %arg1, %mul3A : i32
    %add3A = arith.addi %mul3A_0, %arg0 : i32
    %iota3A = tpu.iota {dimensions = array<i32: 0>} : vector<16xi32>
    %scan3A = arith.constant 0 : i32
    %scan3A_1 = arith.constant 0 : i32
    %scan3A_2 = arith.constant 26 : i32
    %scan3A_3 = arith.addi %scan3A_1, %scan3A_2 : i32
    %scan3A_4 = arith.constant 1 : i32
    scf.for %scan3A_6 = %scan3A_1 to %scan3A_3 step %scan3A_4  : i32 {
      %mul3A_7 = arith.constant 32 : i32
      %mul3A_8 = arith.muli %scan3A_6, %mul3A_7 : i32
      %add3A_9 = arith.addi %mul3A_8, %add3A : i32
      %jit3A = arith.constant 32 : i32
      %div3A = arith.divsi %add3A_9, %jit3A : i32
      %sign3A = arith.constant 0 : i32
      %sign3A_10 = arith.cmpi sgt, %add3A_9, %sign3A : i32
      %sign3A_11 = arith.extui %sign3A_10 : i1 to i32
      %sign3A_12 = arith.constant 0 : i32
      %sign3A_13 = arith.cmpi slt, %add3A_9, %sign3A_12 : i32
      %sign3A_14 = arith.extui %sign3A_13 : i1 to i32
      %sign3A_15 = arith.subi %sign3A_11, %sign3A_14 : i32
      %sign3A_16 = arith.constant 0 : i32
      %sign3A_17 = arith.cmpi sgt, %jit3A, %sign3A_16 : i32
      %sign3A_18 = arith.extui %sign3A_17 : i1 to i32
      %sign3A_19 = arith.constant 0 : i32
      %sign3A_20 = arith.cmpi slt, %jit3A, %sign3A_19 : i32
      %sign3A_21 = arith.extui %sign3A_20 : i1 to i32
      %sign3A_22 = arith.subi %sign3A_18, %sign3A_21 : i32
      %ne3A = arith.cmpi ne, %sign3A_15, %sign3A_22 : i32
      %rem3A = arith.remsi %add3A_9, %jit3A : i32
      %ne3A_23 = arith.constant 0 : i32
      %ne3A_24 = arith.cmpi ne, %rem3A, %ne3A_23 : i32
      %and3A = arith.andi %ne3A, %ne3A_24 : i1
      %sub3A = arith.constant 1 : i32
      %sub3A_25 = arith.subi %div3A, %sub3A : i32
      %select_n3A = arith.select %and3A, %sub3A_25, %div3A : i32
      %jit3A_26 = arith.constant 32 : i32
      %eq3A = arith.constant 0 : i32
      %eq3A_27 = arith.cmpi eq, %jit3A_26, %eq3A : i32
      %jit3A_28 = arith.constant 1 : i32
      %select_n3A_29 = arith.select %eq3A_27, %jit3A_28, %jit3A_26 : i32
      %rem3A_30 = arith.remsi %add3A_9, %select_n3A_29 : i32
      %ne3A_31 = arith.constant 0 : i32
      %ne3A_32 = arith.cmpi ne, %rem3A_30, %ne3A_31 : i32
      %lt3A = arith.constant 0 : i32
      %lt3A_33 = arith.cmpi slt, %rem3A_30, %lt3A : i32
      %lt3A_34 = arith.constant 0 : i32
      %lt3A_35 = arith.cmpi slt, %select_n3A_29, %lt3A_34 : i32
      %ne3A_36 = arith.xori %lt3A_33, %lt3A_35 : i1
      %and3A_37 = arith.andi %ne3A_36, %ne3A_32 : i1
      %add3A_38 = arith.addi %rem3A_30, %select_n3A_29 : i32
      %select_n3A_39 = arith.select %and3A_37, %add3A_38, %rem3A_30 : i32
      %mul3A_40 = arith.constant 512 : i32
      %mul3A_41 = arith.muli %select_n3A_39, %mul3A_40 : i32
      %mul3A_42 = arith.constant 16384 : i32
      %mul3A_43 = arith.muli %select_n3A, %mul3A_42 : i32
      %add3A_44 = arith.addi %mul3A_43, %mul3A_41 : i32
      "tpu.region"() ({
        %run_scoped3A = tpu.sem_alloc : memref<!tpu.dma_semaphore, #tpu.memory_space<semaphore_mem>>
        %dma_start3A_87 = tpu.memref_slice %arg2[%add3A_44] : memref<425984xi32, #tpu.memory_space<hbm>> -> memref<512xi32, #tpu.memory_space<hbm>>
        %dma_start3A_88 = tpu.memref_slice %arg2[%add3A_44] : memref<425984xi32, #tpu.memory_space<hbm>> -> memref<512xi32, #tpu.memory_space<hbm>>
        tpu.enqueue_dma source(%dma_start3A_88 : memref<512xi32, #tpu.memory_space<hbm>>) target(%arg5 : memref<512xi32, #tpu.memory_space<vmem>>) target_semaphore(%run_scoped3A : memref<!tpu.dma_semaphore, #tpu.memory_space<semaphore_mem>>)
        %dma_wait3A_89 = tpu.memref_slice %arg2[%add3A_44] : memref<425984xi32, #tpu.memory_space<hbm>> -> memref<512xi32, #tpu.memory_space<hbm>>
        %dma_wait3A_90 = tpu.memref_slice %arg2[%add3A_44] : memref<425984xi32, #tpu.memory_space<hbm>> -> memref<512xi32, #tpu.memory_space<hbm>>
        tpu.wait_dma2 semaphore(%run_scoped3A : memref<!tpu.dma_semaphore, #tpu.memory_space<semaphore_mem>>) src(%dma_wait3A_90 : memref<512xi32, #tpu.memory_space<hbm>>) dst(%arg5 : memref<512xi32, #tpu.memory_space<vmem>>)
        tpu.yield
      }) : () -> ()
      %mul3A_45 = arith.constant 100000 : i32
      %mul3A_46 = arith.muli %select_n3A, %mul3A_45 : i32
      %scan3A_47 = arith.constant 0 : i32
      %scan3A_48 = arith.constant 0 : i32
      %scan3A_49 = arith.constant 32 : i32
      %scan3A_50 = arith.addi %scan3A_48, %scan3A_49 : i32
      %scan3A_51 = arith.constant 1 : i32
      scf.for %scan3A_87 = %scan3A_48 to %scan3A_50 step %scan3A_51  : i32 {
        %mul3A_88 = arith.constant 16 : i32
        %mul3A_89 = arith.muli %scan3A_87, %mul3A_88 : i32
        %get3A = arith.index_cast %mul3A_89 : i32 to index
        %get3A_90 = tpu.vector_load %arg5[%get3A] {strides = array<i32>} : memref<512xi32, #tpu.memory_space<vmem>>, vector<16xi32>,
        %add3A_91 = vector.broadcast %mul3A_46 : i32 to vector<16xi32>
        %add3A_92 = arith.addi %get3A_90, %add3A_91 : vector<16xi32>
        %swap3A = arith.index_cast %mul3A_89 : i32 to index
        %swap3A_93 = tpu.vector_load %arg5[%swap3A] {strides = array<i32>} : memref<512xi32, #tpu.memory_space<vmem>>, vector<16xi32>,
        tpu.vector_store %arg5[%swap3A], %add3A_92 {strides = array<i32>} : memref<512xi32, #tpu.memory_space<vmem>>, vector<16xi32>,
      }
      %scan3A_52 = arith.constant 32 : i32
      %dma_start3A = arith.constant 0 : i32
      %dma_start3A_53 = arith.constant 0 : i32
      %dma_start3A_54 = tpu.memref_slice %arg3[%dma_start3A, %dma_start3A_53] : memref<2600000x16xf32, #tpu.memory_space<hbm>> -> memref<2600000x16xf32, #tpu.memory_space<hbm>>
      tpu.enqueue_indirect_dma source(%dma_start3A_54 : memref<2600000x16xf32, #tpu.memory_space<hbm>>) target(%arg6 : memref<512x16xf32, #tpu.memory_space<vmem>>) offsets(%arg5 : memref<512xi32, #tpu.memory_space<vmem>>) semaphore(%arg8 : memref<!tpu.dma_semaphore, #tpu.memory_space<semaphore_mem>>)
      %dma_wait3A = arith.constant 0 : i32
      %dma_wait3A_55 = arith.constant 0 : i32
      %dma_wait3A_56 = tpu.memref_slice %arg3[%dma_wait3A, %dma_wait3A_55] : memref<2600000x16xf32, #tpu.memory_space<hbm>> -> memref<2600000x16xf32, #tpu.memory_space<hbm>>
      tpu.wait_indirect_dma semaphore(%arg8 : memref<!tpu.dma_semaphore, #tpu.memory_space<semaphore_mem>>) src(%dma_wait3A_56 : memref<2600000x16xf32, #tpu.memory_space<hbm>>) dst(%arg6 : memref<512x16xf32, #tpu.memory_space<vmem>>)
      %scan3A_57 = arith.constant 0 : i32
      %scan3A_58 = arith.constant 0 : i32
      %scan3A_59 = arith.constant 32 : i32
      %scan3A_60 = arith.addi %scan3A_58, %scan3A_59 : i32
      %scan3A_61 = arith.constant 1 : i32
      scf.for %scan3A_87 = %scan3A_58 to %scan3A_60 step %scan3A_61  : i32 {
        %mul3A_88 = arith.constant 16 : i32
        %mul3A_89 = arith.muli %scan3A_87, %mul3A_88 : i32
        %add3A_90 = vector.broadcast %mul3A_89 : i32 to vector<16xi32>
        %add3A_91 = arith.addi %add3A_90, %iota3A : vector<16xi32>
        %jit3A_92 = arith.constant 128 : i32
        %div3A_93 = arith.divsi %mul3A_89, %jit3A_92 : i32
        %sign3A_94 = arith.constant 0 : i32
        %sign3A_95 = arith.cmpi sgt, %mul3A_89, %sign3A_94 : i32
        %sign3A_96 = arith.extui %sign3A_95 : i1 to i32
        %sign3A_97 = arith.constant 0 : i32
        %sign3A_98 = arith.cmpi slt, %mul3A_89, %sign3A_97 : i32
        %sign3A_99 = arith.extui %sign3A_98 : i1 to i32
        %sign3A_100 = arith.subi %sign3A_96, %sign3A_99 : i32
        %sign3A_101 = arith.constant 0 : i32
        %sign3A_102 = arith.cmpi sgt, %jit3A_92, %sign3A_101 : i32
        %sign3A_103 = arith.extui %sign3A_102 : i1 to i32
        %sign3A_104 = arith.constant 0 : i32
        %sign3A_105 = arith.cmpi slt, %jit3A_92, %sign3A_104 : i32
        %sign3A_106 = arith.extui %sign3A_105 : i1 to i32
        %sign3A_107 = arith.subi %sign3A_103, %sign3A_106 : i32
        %ne3A_108 = arith.cmpi ne, %sign3A_100, %sign3A_107 : i32
        %rem3A_109 = arith.remsi %mul3A_89, %jit3A_92 : i32
        %ne3A_110 = arith.constant 0 : i32
        %ne3A_111 = arith.cmpi ne, %rem3A_109, %ne3A_110 : i32
        %and3A_112 = arith.andi %ne3A_108, %ne3A_111 : i1
        %sub3A_113 = arith.constant 1 : i32
        %sub3A_114 = arith.subi %div3A_93, %sub3A_113 : i32
        %select_n3A_115 = arith.select %and3A_112, %sub3A_114, %div3A_93 : i32
        %jit3A_116 = arith.constant 128 : i32
        %eq3A_117 = arith.constant 0 : i32
        %eq3A_118 = arith.cmpi eq, %jit3A_116, %eq3A_117 : i32
        %jit3A_119 = arith.constant 1 : i32
        %select_n3A_120 = arith.select %eq3A_118, %jit3A_119, %jit3A_116 : i32
        %rem3A_121 = arith.remsi %mul3A_89, %select_n3A_120 : i32
        %ne3A_122 = arith.constant 0 : i32
        %ne3A_123 = arith.cmpi ne, %rem3A_121, %ne3A_122 : i32
        %lt3A_124 = arith.constant 0 : i32
        %lt3A_125 = arith.cmpi slt, %rem3A_121, %lt3A_124 : i32
        %lt3A_126 = arith.constant 0 : i32
        %lt3A_127 = arith.cmpi slt, %select_n3A_120, %lt3A_126 : i32
        %ne3A_128 = arith.xori %lt3A_125, %lt3A_127 : i1
        %and3A_129 = arith.andi %ne3A_128, %ne3A_123 : i1
        %add3A_130 = arith.addi %rem3A_121, %select_n3A_120 : i32
        %select_n3A_131 = arith.select %and3A_129, %add3A_130, %rem3A_121 : i32
        %mul3A_132 = arith.constant 0 : i32
        %mul3A_133 = vector.broadcast %mul3A_132 : i32 to vector<16xi32>
        %mul3A_134 = arith.muli %iota3A, %mul3A_133 : vector<16xi32>
        %add3A_135 = arith.constant 0 : i32
        %add3A_136 = vector.broadcast %add3A_135 : i32 to vector<16xi32>
        %add3A_137 = arith.addi %mul3A_134, %add3A_136 : vector<16xi32>
        %gather3A = tpu.vector_load_idx %arg6[%add3A_91, %add3A_137] : memref<512x16xf32, #tpu.memory_space<vmem>>[vector<16xi32>, vector<16xi32>], vector<16xf32>,
        %swap3A = arith.constant 0 : i32
        %swap3A_138 = arith.constant 0 : i32
        %swap3A_139 = arith.index_cast %swap3A : i32 to index
        %swap3A_140 = arith.index_cast %select_n3A_115 : i32 to index
        %swap3A_141 = arith.index_cast %swap3A_138 : i32 to index
        %swap3A_142 = arith.index_cast %select_n3A_131 : i32 to index
        %swap3A_143 = tpu.vector_load %arg7[%swap3A_139, %swap3A_140, %swap3A_141, %swap3A_142] {strides = array<i32>} : memref<2x4x8x128xf32, #tpu.memory_space<vmem>>, vector<16xf32>,
        tpu.vector_store %arg7[%swap3A_139, %swap3A_140, %swap3A_141, %swap3A_142], %gather3A {strides = array<i32>} : memref<2x4x8x128xf32, #tpu.memory_space<vmem>>, vector<16xf32>,
        %mul3A_144 = arith.constant 0 : i32
        %mul3A_145 = vector.broadcast %mul3A_144 : i32 to vector<16xi32>
        %mul3A_146 = arith.muli %iota3A, %mul3A_145 : vector<16xi32>
        %add3A_147 = arith.constant 1 : i32
        %add3A_148 = vector.broadcast %add3A_147 : i32 to vector<16xi32>
        %add3A_149 = arith.addi %mul3A_146, %add3A_148 : vector<16xi32>
        %gather3A_150 = tpu.vector_load_idx %arg6[%add3A_91, %add3A_149] : memref<512x16xf32, #tpu.memory_space<vmem>>[vector<16xi32>, vector<16xi32>], vector<16xf32>,
        %swap3A_151 = arith.constant 0 : i32
        %swap3A_152 = arith.constant 1 : i32
        %swap3A_153 = arith.index_cast %swap3A_151 : i32 to index
        %swap3A_154 = arith.index_cast %select_n3A_115 : i32 to index
        %swap3A_155 = arith.index_cast %swap3A_152 : i32 to index
        %swap3A_156 = arith.index_cast %select_n3A_131 : i32 to index
        %swap3A_157 = tpu.vector_load %arg7[%swap3A_153, %swap3A_154, %swap3A_155, %swap3A_156] {strides = array<i32>} : memref<2x4x8x128xf32, #tpu.memory_space<vmem>>, vector<16xf32>,
        tpu.vector_store %arg7[%swap3A_153, %swap3A_154, %swap3A_155, %swap3A_156], %gather3A_150 {strides = array<i32>} : memref<2x4x8x128xf32, #tpu.memory_space<vmem>>, vector<16xf32>,
        %mul3A_158 = arith.constant 0 : i32
        %mul3A_159 = vector.broadcast %mul3A_158 : i32 to vector<16xi32>
        %mul3A_160 = arith.muli %iota3A, %mul3A_159 : vector<16xi32>
        %add3A_161 = arith.constant 2 : i32
        %add3A_162 = vector.broadcast %add3A_161 : i32 to vector<16xi32>
        %add3A_163 = arith.addi %mul3A_160, %add3A_162 : vector<16xi32>
        %gather3A_164 = tpu.vector_load_idx %arg6[%add3A_91, %add3A_163] : memref<512x16xf32, #tpu.memory_space<vmem>>[vector<16xi32>, vector<16xi32>], vector<16xf32>,
        %swap3A_165 = arith.constant 0 : i32
        %swap3A_166 = arith.constant 2 : i32
        %swap3A_167 = arith.index_cast %swap3A_165 : i32 to index
        %swap3A_168 = arith.index_cast %select_n3A_115 : i32 to index
        %swap3A_169 = arith.index_cast %swap3A_166 : i32 to index
        %swap3A_170 = arith.index_cast %select_n3A_131 : i32 to index
        %swap3A_171 = tpu.vector_load %arg7[%swap3A_167, %swap3A_168, %swap3A_169, %swap3A_170] {strides = array<i32>} : memref<2x4x8x128xf32, #tpu.memory_space<vmem>>, vector<16xf32>,
        tpu.vector_store %arg7[%swap3A_167, %swap3A_168, %swap3A_169, %swap3A_170], %gather3A_164 {strides = array<i32>} : memref<2x4x8x128xf32, #tpu.memory_space<vmem>>, vector<16xf32>,
        %mul3A_172 = arith.constant 0 : i32
        %mul3A_173 = vector.broadcast %mul3A_172 : i32 to vector<16xi32>
        %mul3A_174 = arith.muli %iota3A, %mul3A_173 : vector<16xi32>
        %add3A_175 = arith.constant 3 : i32
        %add3A_176 = vector.broadcast %add3A_175 : i32 to vector<16xi32>
        %add3A_177 = arith.addi %mul3A_174, %add3A_176 : vector<16xi32>
        %gather3A_178 = tpu.vector_load_idx %arg6[%add3A_91, %add3A_177] : memref<512x16xf32, #tpu.memory_space<vmem>>[vector<16xi32>, vector<16xi32>], vector<16xf32>,
        %swap3A_179 = arith.constant 0 : i32
        %swap3A_180 = arith.constant 3 : i32
        %swap3A_181 = arith.index_cast %swap3A_179 : i32 to index
        %swap3A_182 = arith.index_cast %select_n3A_115 : i32 to index
        %swap3A_183 = arith.index_cast %swap3A_180 : i32 to index
        %swap3A_184 = arith.index_cast %select_n3A_131 : i32 to index
        %swap3A_185 = tpu.vector_load %arg7[%swap3A_181, %swap3A_182, %swap3A_183, %swap3A_184] {strides = array<i32>} : memref<2x4x8x128xf32, #tpu.memory_space<vmem>>, vector<16xf32>,
        tpu.vector_store %arg7[%swap3A_181, %swap3A_182, %swap3A_183, %swap3A_184], %gather3A_178 {strides = array<i32>} : memref<2x4x8x128xf32, #tpu.memory_space<vmem>>, vector<16xf32>,
        %mul3A_186 = arith.constant 0 : i32
        %mul3A_187 = vector.broadcast %mul3A_186 : i32 to vector<16xi32>
        %mul3A_188 = arith.muli %iota3A, %mul3A_187 : vector<16xi32>
        %add3A_189 = arith.constant 4 : i32
        %add3A_190 = vector.broadcast %add3A_189 : i32 to vector<16xi32>
        %add3A_191 = arith.addi %mul3A_188, %add3A_190 : vector<16xi32>
        %gather3A_192 = tpu.vector_load_idx %arg6[%add3A_91, %add3A_191] : memref<512x16xf32, #tpu.memory_space<vmem>>[vector<16xi32>, vector<16xi32>], vector<16xf32>,
        %swap3A_193 = arith.constant 0 : i32
        %swap3A_194 = arith.constant 4 : i32
        %swap3A_195 = arith.index_cast %swap3A_193 : i32 to index
        %swap3A_196 = arith.index_cast %select_n3A_115 : i32 to index
        %swap3A_197 = arith.index_cast %swap3A_194 : i32 to index
        %swap3A_198 = arith.index_cast %select_n3A_131 : i32 to index
        %swap3A_199 = tpu.vector_load %arg7[%swap3A_195, %swap3A_196, %swap3A_197, %swap3A_198] {strides = array<i32>} : memref<2x4x8x128xf32, #tpu.memory_space<vmem>>, vector<16xf32>,
        tpu.vector_store %arg7[%swap3A_195, %swap3A_196, %swap3A_197, %swap3A_198], %gather3A_192 {strides = array<i32>} : memref<2x4x8x128xf32, #tpu.memory_space<vmem>>, vector<16xf32>,
        %mul3A_200 = arith.constant 0 : i32
        %mul3A_201 = vector.broadcast %mul3A_200 : i32 to vector<16xi32>
        %mul3A_202 = arith.muli %iota3A, %mul3A_201 : vector<16xi32>
        %add3A_203 = arith.constant 5 : i32
        %add3A_204 = vector.broadcast %add3A_203 : i32 to vector<16xi32>
        %add3A_205 = arith.addi %mul3A_202, %add3A_204 : vector<16xi32>
        %gather3A_206 = tpu.vector_load_idx %arg6[%add3A_91, %add3A_205] : memref<512x16xf32, #tpu.memory_space<vmem>>[vector<16xi32>, vector<16xi32>], vector<16xf32>,
        %swap3A_207 = arith.constant 0 : i32
        %swap3A_208 = arith.constant 5 : i32
        %swap3A_209 = arith.index_cast %swap3A_207 : i32 to index
        %swap3A_210 = arith.index_cast %select_n3A_115 : i32 to index
        %swap3A_211 = arith.index_cast %swap3A_208 : i32 to index
        %swap3A_212 = arith.index_cast %select_n3A_131 : i32 to index
        %swap3A_213 = tpu.vector_load %arg7[%swap3A_209, %swap3A_210, %swap3A_211, %swap3A_212] {strides = array<i32>} : memref<2x4x8x128xf32, #tpu.memory_space<vmem>>, vector<16xf32>,
        tpu.vector_store %arg7[%swap3A_209, %swap3A_210, %swap3A_211, %swap3A_212], %gather3A_206 {strides = array<i32>} : memref<2x4x8x128xf32, #tpu.memory_space<vmem>>, vector<16xf32>,
        %mul3A_214 = arith.constant 0 : i32
        %mul3A_215 = vector.broadcast %mul3A_214 : i32 to vector<16xi32>
        %mul3A_216 = arith.muli %iota3A, %mul3A_215 : vector<16xi32>
        %add3A_217 = arith.constant 6 : i32
        %add3A_218 = vector.broadcast %add3A_217 : i32 to vector<16xi32>
        %add3A_219 = arith.addi %mul3A_216, %add3A_218 : vector<16xi32>
        %gather3A_220 = tpu.vector_load_idx %arg6[%add3A_91, %add3A_219] : memref<512x16xf32, #tpu.memory_space<vmem>>[vector<16xi32>, vector<16xi32>], vector<16xf32>,
        %swap3A_221 = arith.constant 0 : i32
        %swap3A_222 = arith.constant 6 : i32
        %swap3A_223 = arith.index_cast %swap3A_221 : i32 to index
        %swap3A_224 = arith.index_cast %select_n3A_115 : i32 to index
        %swap3A_225 = arith.index_cast %swap3A_222 : i32 to index
        %swap3A_226 = arith.index_cast %select_n3A_131 : i32 to index
        %swap3A_227 = tpu.vector_load %arg7[%swap3A_223, %swap3A_224, %swap3A_225, %swap3A_226] {strides = array<i32>} : memref<2x4x8x128xf32, #tpu.memory_space<vmem>>, vector<16xf32>,
        tpu.vector_store %arg7[%swap3A_223, %swap3A_224, %swap3A_225, %swap3A_226], %gather3A_220 {strides = array<i32>} : memref<2x4x8x128xf32, #tpu.memory_space<vmem>>, vector<16xf32>,
        %mul3A_228 = arith.constant 0 : i32
        %mul3A_229 = vector.broadcast %mul3A_228 : i32 to vector<16xi32>
        %mul3A_230 = arith.muli %iota3A, %mul3A_229 : vector<16xi32>
        %add3A_231 = arith.constant 7 : i32
        %add3A_232 = vector.broadcast %add3A_231 : i32 to vector<16xi32>
        %add3A_233 = arith.addi %mul3A_230, %add3A_232 : vector<16xi32>
        %gather3A_234 = tpu.vector_load_idx %arg6[%add3A_91, %add3A_233] : memref<512x16xf32, #tpu.memory_space<vmem>>[vector<16xi32>, vector<16xi32>], vector<16xf32>,
        %swap3A_235 = arith.constant 0 : i32
        %swap3A_236 = arith.constant 7 : i32
        %swap3A_237 = arith.index_cast %swap3A_235 : i32 to index
        %swap3A_238 = arith.index_cast %select_n3A_115 : i32 to index
        %swap3A_239 = arith.index_cast %swap3A_236 : i32 to index
        %swap3A_240 = arith.index_cast %select_n3A_131 : i32 to index
        %swap3A_241 = tpu.vector_load %arg7[%swap3A_237, %swap3A_238, %swap3A_239, %swap3A_240] {strides = array<i32>} : memref<2x4x8x128xf32, #tpu.memory_space<vmem>>, vector<16xf32>,
        tpu.vector_store %arg7[%swap3A_237, %swap3A_238, %swap3A_239, %swap3A_240], %gather3A_234 {strides = array<i32>} : memref<2x4x8x128xf32, #tpu.memory_space<vmem>>, vector<16xf32>,
        %mul3A_242 = arith.constant 0 : i32
        %mul3A_243 = vector.broadcast %mul3A_242 : i32 to vector<16xi32>
        %mul3A_244 = arith.muli %iota3A, %mul3A_243 : vector<16xi32>
        %add3A_245 = arith.constant 8 : i32
        %add3A_246 = vector.broadcast %add3A_245 : i32 to vector<16xi32>
        %add3A_247 = arith.addi %mul3A_244, %add3A_246 : vector<16xi32>
        %gather3A_248 = tpu.vector_load_idx %arg6[%add3A_91, %add3A_247] : memref<512x16xf32, #tpu.memory_space<vmem>>[vector<16xi32>, vector<16xi32>], vector<16xf32>,
        %swap3A_249 = arith.constant 1 : i32
        %swap3A_250 = arith.constant 0 : i32
        %swap3A_251 = arith.index_cast %swap3A_249 : i32 to index
        %swap3A_252 = arith.index_cast %select_n3A_115 : i32 to index
        %swap3A_253 = arith.index_cast %swap3A_250 : i32 to index
        %swap3A_254 = arith.index_cast %select_n3A_131 : i32 to index
        %swap3A_255 = tpu.vector_load %arg7[%swap3A_251, %swap3A_252, %swap3A_253, %swap3A_254] {strides = array<i32>} : memref<2x4x8x128xf32, #tpu.memory_space<vmem>>, vector<16xf32>,
        tpu.vector_store %arg7[%swap3A_251, %swap3A_252, %swap3A_253, %swap3A_254], %gather3A_248 {strides = array<i32>} : memref<2x4x8x128xf32, #tpu.memory_space<vmem>>, vector<16xf32>,
        %mul3A_256 = arith.constant 0 : i32
        %mul3A_257 = vector.broadcast %mul3A_256 : i32 to vector<16xi32>
        %mul3A_258 = arith.muli %iota3A, %mul3A_257 : vector<16xi32>
        %add3A_259 = arith.constant 9 : i32
        %add3A_260 = vector.broadcast %add3A_259 : i32 to vector<16xi32>
        %add3A_261 = arith.addi %mul3A_258, %add3A_260 : vector<16xi32>
        %gather3A_262 = tpu.vector_load_idx %arg6[%add3A_91, %add3A_261] : memref<512x16xf32, #tpu.memory_space<vmem>>[vector<16xi32>, vector<16xi32>], vector<16xf32>,
        %swap3A_263 = arith.constant 1 : i32
        %swap3A_264 = arith.constant 1 : i32
        %swap3A_265 = arith.index_cast %swap3A_263 : i32 to index
        %swap3A_266 = arith.index_cast %select_n3A_115 : i32 to index
        %swap3A_267 = arith.index_cast %swap3A_264 : i32 to index
        %swap3A_268 = arith.index_cast %select_n3A_131 : i32 to index
        %swap3A_269 = tpu.vector_load %arg7[%swap3A_265, %swap3A_266, %swap3A_267, %swap3A_268] {strides = array<i32>} : memref<2x4x8x128xf32, #tpu.memory_space<vmem>>, vector<16xf32>,
        tpu.vector_store %arg7[%swap3A_265, %swap3A_266, %swap3A_267, %swap3A_268], %gather3A_262 {strides = array<i32>} : memref<2x4x8x128xf32, #tpu.memory_space<vmem>>, vector<16xf32>,
        %mul3A_270 = arith.constant 0 : i32
        %mul3A_271 = vector.broadcast %mul3A_270 : i32 to vector<16xi32>
        %mul3A_272 = arith.muli %iota3A, %mul3A_271 : vector<16xi32>
        %add3A_273 = arith.constant 10 : i32
        %add3A_274 = vector.broadcast %add3A_273 : i32 to vector<16xi32>
        %add3A_275 = arith.addi %mul3A_272, %add3A_274 : vector<16xi32>
        %gather3A_276 = tpu.vector_load_idx %arg6[%add3A_91, %add3A_275] : memref<512x16xf32, #tpu.memory_space<vmem>>[vector<16xi32>, vector<16xi32>], vector<16xf32>,
        %swap3A_277 = arith.constant 1 : i32
        %swap3A_278 = arith.constant 2 : i32
        %swap3A_279 = arith.index_cast %swap3A_277 : i32 to index
        %swap3A_280 = arith.index_cast %select_n3A_115 : i32 to index
        %swap3A_281 = arith.index_cast %swap3A_278 : i32 to index
        %swap3A_282 = arith.index_cast %select_n3A_131 : i32 to index
        %swap3A_283 = tpu.vector_load %arg7[%swap3A_279, %swap3A_280, %swap3A_281, %swap3A_282] {strides = array<i32>} : memref<2x4x8x128xf32, #tpu.memory_space<vmem>>, vector<16xf32>,
        tpu.vector_store %arg7[%swap3A_279, %swap3A_280, %swap3A_281, %swap3A_282], %gather3A_276 {strides = array<i32>} : memref<2x4x8x128xf32, #tpu.memory_space<vmem>>, vector<16xf32>,
        %mul3A_284 = arith.constant 0 : i32
        %mul3A_285 = vector.broadcast %mul3A_284 : i32 to vector<16xi32>
        %mul3A_286 = arith.muli %iota3A, %mul3A_285 : vector<16xi32>
        %add3A_287 = arith.constant 11 : i32
        %add3A_288 = vector.broadcast %add3A_287 : i32 to vector<16xi32>
        %add3A_289 = arith.addi %mul3A_286, %add3A_288 : vector<16xi32>
        %gather3A_290 = tpu.vector_load_idx %arg6[%add3A_91, %add3A_289] : memref<512x16xf32, #tpu.memory_space<vmem>>[vector<16xi32>, vector<16xi32>], vector<16xf32>,
        %swap3A_291 = arith.constant 1 : i32
        %swap3A_292 = arith.constant 3 : i32
        %swap3A_293 = arith.index_cast %swap3A_291 : i32 to index
        %swap3A_294 = arith.index_cast %select_n3A_115 : i32 to index
        %swap3A_295 = arith.index_cast %swap3A_292 : i32 to index
        %swap3A_296 = arith.index_cast %select_n3A_131 : i32 to index
        %swap3A_297 = tpu.vector_load %arg7[%swap3A_293, %swap3A_294, %swap3A_295, %swap3A_296] {strides = array<i32>} : memref<2x4x8x128xf32, #tpu.memory_space<vmem>>, vector<16xf32>,
        tpu.vector_store %arg7[%swap3A_293, %swap3A_294, %swap3A_295, %swap3A_296], %gather3A_290 {strides = array<i32>} : memref<2x4x8x128xf32, #tpu.memory_space<vmem>>, vector<16xf32>,
        %mul3A_298 = arith.constant 0 : i32
        %mul3A_299 = vector.broadcast %mul3A_298 : i32 to vector<16xi32>
        %mul3A_300 = arith.muli %iota3A, %mul3A_299 : vector<16xi32>
        %add3A_301 = arith.constant 12 : i32
        %add3A_302 = vector.broadcast %add3A_301 : i32 to vector<16xi32>
        %add3A_303 = arith.addi %mul3A_300, %add3A_302 : vector<16xi32>
        %gather3A_304 = tpu.vector_load_idx %arg6[%add3A_91, %add3A_303] : memref<512x16xf32, #tpu.memory_space<vmem>>[vector<16xi32>, vector<16xi32>], vector<16xf32>,
        %swap3A_305 = arith.constant 1 : i32
        %swap3A_306 = arith.constant 4 : i32
        %swap3A_307 = arith.index_cast %swap3A_305 : i32 to index
        %swap3A_308 = arith.index_cast %select_n3A_115 : i32 to index
        %swap3A_309 = arith.index_cast %swap3A_306 : i32 to index
        %swap3A_310 = arith.index_cast %select_n3A_131 : i32 to index
        %swap3A_311 = tpu.vector_load %arg7[%swap3A_307, %swap3A_308, %swap3A_309, %swap3A_310] {strides = array<i32>} : memref<2x4x8x128xf32, #tpu.memory_space<vmem>>, vector<16xf32>,
        tpu.vector_store %arg7[%swap3A_307, %swap3A_308, %swap3A_309, %swap3A_310], %gather3A_304 {strides = array<i32>} : memref<2x4x8x128xf32, #tpu.memory_space<vmem>>, vector<16xf32>,
        %mul3A_312 = arith.constant 0 : i32
        %mul3A_313 = vector.broadcast %mul3A_312 : i32 to vector<16xi32>
        %mul3A_314 = arith.muli %iota3A, %mul3A_313 : vector<16xi32>
        %add3A_315 = arith.constant 13 : i32
        %add3A_316 = vector.broadcast %add3A_315 : i32 to vector<16xi32>
        %add3A_317 = arith.addi %mul3A_314, %add3A_316 : vector<16xi32>
        %gather3A_318 = tpu.vector_load_idx %arg6[%add3A_91, %add3A_317] : memref<512x16xf32, #tpu.memory_space<vmem>>[vector<16xi32>, vector<16xi32>], vector<16xf32>,
        %swap3A_319 = arith.constant 1 : i32
        %swap3A_320 = arith.constant 5 : i32
        %swap3A_321 = arith.index_cast %swap3A_319 : i32 to index
        %swap3A_322 = arith.index_cast %select_n3A_115 : i32 to index
        %swap3A_323 = arith.index_cast %swap3A_320 : i32 to index
        %swap3A_324 = arith.index_cast %select_n3A_131 : i32 to index
        %swap3A_325 = tpu.vector_load %arg7[%swap3A_321, %swap3A_322, %swap3A_323, %swap3A_324] {strides = array<i32>} : memref<2x4x8x128xf32, #tpu.memory_space<vmem>>, vector<16xf32>,
        tpu.vector_store %arg7[%swap3A_321, %swap3A_322, %swap3A_323, %swap3A_324], %gather3A_318 {strides = array<i32>} : memref<2x4x8x128xf32, #tpu.memory_space<vmem>>, vector<16xf32>,
        %mul3A_326 = arith.constant 0 : i32
        %mul3A_327 = vector.broadcast %mul3A_326 : i32 to vector<16xi32>
        %mul3A_328 = arith.muli %iota3A, %mul3A_327 : vector<16xi32>
        %add3A_329 = arith.constant 14 : i32
        %add3A_330 = vector.broadcast %add3A_329 : i32 to vector<16xi32>
        %add3A_331 = arith.addi %mul3A_328, %add3A_330 : vector<16xi32>
        %gather3A_332 = tpu.vector_load_idx %arg6[%add3A_91, %add3A_331] : memref<512x16xf32, #tpu.memory_space<vmem>>[vector<16xi32>, vector<16xi32>], vector<16xf32>,
        %swap3A_333 = arith.constant 1 : i32
        %swap3A_334 = arith.constant 6 : i32
        %swap3A_335 = arith.index_cast %swap3A_333 : i32 to index
        %swap3A_336 = arith.index_cast %select_n3A_115 : i32 to index
        %swap3A_337 = arith.index_cast %swap3A_334 : i32 to index
        %swap3A_338 = arith.index_cast %select_n3A_131 : i32 to index
        %swap3A_339 = tpu.vector_load %arg7[%swap3A_335, %swap3A_336, %swap3A_337, %swap3A_338] {strides = array<i32>} : memref<2x4x8x128xf32, #tpu.memory_space<vmem>>, vector<16xf32>,
        tpu.vector_store %arg7[%swap3A_335, %swap3A_336, %swap3A_337, %swap3A_338], %gather3A_332 {strides = array<i32>} : memref<2x4x8x128xf32, #tpu.memory_space<vmem>>, vector<16xf32>,
        %mul3A_340 = arith.constant 0 : i32
        %mul3A_341 = vector.broadcast %mul3A_340 : i32 to vector<16xi32>
        %mul3A_342 = arith.muli %iota3A, %mul3A_341 : vector<16xi32>
        %add3A_343 = arith.constant 15 : i32
        %add3A_344 = vector.broadcast %add3A_343 : i32 to vector<16xi32>
        %add3A_345 = arith.addi %mul3A_342, %add3A_344 : vector<16xi32>
        %gather3A_346 = tpu.vector_load_idx %arg6[%add3A_91, %add3A_345] : memref<512x16xf32, #tpu.memory_space<vmem>>[vector<16xi32>, vector<16xi32>], vector<16xf32>,
        %swap3A_347 = arith.constant 1 : i32
        %swap3A_348 = arith.constant 7 : i32
        %swap3A_349 = arith.index_cast %swap3A_347 : i32 to index
        %swap3A_350 = arith.index_cast %select_n3A_115 : i32 to index
        %swap3A_351 = arith.index_cast %swap3A_348 : i32 to index
        %swap3A_352 = arith.index_cast %select_n3A_131 : i32 to index
        %swap3A_353 = tpu.vector_load %arg7[%swap3A_349, %swap3A_350, %swap3A_351, %swap3A_352] {strides = array<i32>} : memref<2x4x8x128xf32, #tpu.memory_space<vmem>>, vector<16xf32>,
        tpu.vector_store %arg7[%swap3A_349, %swap3A_350, %swap3A_351, %swap3A_352], %gather3A_346 {strides = array<i32>} : memref<2x4x8x128xf32, #tpu.memory_space<vmem>>, vector<16xf32>,
      }
      %scan3A_62 = arith.constant 32 : i32
      %jit3A_63 = arith.constant 128 : i32
      %div3A_64 = arith.divsi %mul3A_41, %jit3A_63 : i32
      %sign3A_65 = arith.constant 0 : i32
      %sign3A_66 = arith.cmpi sgt, %mul3A_41, %sign3A_65 : i32
      %sign3A_67 = arith.extui %sign3A_66 : i1 to i32
      %sign3A_68 = arith.constant 0 : i32
      %sign3A_69 = arith.cmpi slt, %mul3A_41, %sign3A_68 : i32
      %sign3A_70 = arith.extui %sign3A_69 : i1 to i32
      %sign3A_71 = arith.subi %sign3A_67, %sign3A_70 : i32
      %sign3A_72 = arith.constant 0 : i32
      %sign3A_73 = arith.cmpi sgt, %jit3A_63, %sign3A_72 : i32
      %sign3A_74 = arith.extui %sign3A_73 : i1 to i32
      %sign3A_75 = arith.constant 0 : i32
      %sign3A_76 = arith.cmpi slt, %jit3A_63, %sign3A_75 : i32
      %sign3A_77 = arith.extui %sign3A_76 : i1 to i32
      %sign3A_78 = arith.subi %sign3A_74, %sign3A_77 : i32
      %ne3A_79 = arith.cmpi ne, %sign3A_71, %sign3A_78 : i32
      %rem3A_80 = arith.remsi %mul3A_41, %jit3A_63 : i32
      %ne3A_81 = arith.constant 0 : i32
      %ne3A_82 = arith.cmpi ne, %rem3A_80, %ne3A_81 : i32
      %and3A_83 = arith.andi %ne3A_79, %ne3A_82 : i1
      %sub3A_84 = arith.constant 1 : i32
      %sub3A_85 = arith.subi %div3A_64, %sub3A_84 : i32
      %select_n3A_86 = arith.select %and3A_83, %sub3A_85, %div3A_64 : i32
      "tpu.region"() ({
        %run_scoped3A = tpu.sem_alloc : memref<!tpu.dma_semaphore, #tpu.memory_space<semaphore_mem>>
        %dma_start3A_87 = arith.constant 0 : i32
        %dma_start3A_88 = arith.constant 0 : i32
        %dma_start3A_89 = arith.constant 0 : i32
        %dma_start3A_90 = tpu.memref_slice %arg4[%select_n3A, %dma_start3A_87, %select_n3A_86, %dma_start3A_88, %dma_start3A_89] : memref<26x2x128x8x128xf32, #tpu.memory_space<hbm>> -> memref<1x2x4x8x128xf32, #tpu.memory_space<hbm>>
        %dma_start3A_91 = tpu.memref_squeeze %dma_start3A_90 : memref<1x2x4x8x128xf32, #tpu.memory_space<hbm>> -> memref<2x4x8x128xf32, #tpu.memory_space<hbm>>
        %dma_start3A_92 = arith.constant 0 : i32
        %dma_start3A_93 = arith.constant 0 : i32
        %dma_start3A_94 = arith.constant 0 : i32
        %dma_start3A_95 = tpu.memref_slice %arg4[%select_n3A, %dma_start3A_92, %select_n3A_86, %dma_start3A_93, %dma_start3A_94] : memref<26x2x128x8x128xf32, #tpu.memory_space<hbm>> -> memref<1x2x4x8x128xf32, #tpu.memory_space<hbm>>
        %dma_start3A_96 = tpu.memref_squeeze %dma_start3A_95 : memref<1x2x4x8x128xf32, #tpu.memory_space<hbm>> -> memref<2x4x8x128xf32, #tpu.memory_space<hbm>>
        tpu.enqueue_dma source(%arg7 : memref<2x4x8x128xf32, #tpu.memory_space<vmem>>) target(%dma_start3A_96 : memref<2x4x8x128xf32, #tpu.memory_space<hbm>>) target_semaphore(%run_scoped3A : memref<!tpu.dma_semaphore, #tpu.memory_space<semaphore_mem>>)
        %dma_wait3A_97 = arith.constant 0 : i32
        %dma_wait3A_98 = arith.constant 0 : i32
        %dma_wait3A_99 = arith.constant 0 : i32
        %dma_wait3A_100 = tpu.memref_slice %arg4[%select_n3A, %dma_wait3A_97, %select_n3A_86, %dma_wait3A_98, %dma_wait3A_99] : memref<26x2x128x8x128xf32, #tpu.memory_space<hbm>> -> memref<1x2x4x8x128xf32, #tpu.memory_space<hbm>>
        %dma_wait3A_101 = tpu.memref_squeeze %dma_wait3A_100 : memref<1x2x4x8x128xf32, #tpu.memory_space<hbm>> -> memref<2x4x8x128xf32, #tpu.memory_space<hbm>>
        %dma_wait3A_102 = arith.constant 0 : i32
        %dma_wait3A_103 = arith.constant 0 : i32
        %dma_wait3A_104 = arith.constant 0 : i32
        %dma_wait3A_105 = tpu.memref_slice %arg4[%select_n3A, %dma_wait3A_102, %select_n3A_86, %dma_wait3A_103, %dma_wait3A_104] : memref<26x2x128x8x128xf32, #tpu.memory_space<hbm>> -> memref<1x2x4x8x128xf32, #tpu.memory_space<hbm>>
        %dma_wait3A_106 = tpu.memref_squeeze %dma_wait3A_105 : memref<1x2x4x8x128xf32, #tpu.memory_space<hbm>> -> memref<2x4x8x128xf32, #tpu.memory_space<hbm>>
        tpu.wait_dma2 semaphore(%run_scoped3A : memref<!tpu.dma_semaphore, #tpu.memory_space<semaphore_mem>>) src(%arg7 : memref<2x4x8x128xf32, #tpu.memory_space<vmem>>) dst(%dma_wait3A_106 : memref<2x4x8x128xf32, #tpu.memory_space<hbm>>)
        tpu.yield
      }) : () -> ()
    }
    %scan3A_5 = arith.constant 26 : i32
    return
  }
}

</mosaic_0001>

<sc_bundles>
// kernel: kernel.3.cloned.1.call-start
scs
__scs_entry_jumppad:
0x0: {  	(pc) =	sbr.rel $0x88, $3  }
0x1: {  	(tag) =	ssettag $0x0;
	lr =	simm.s32 $0x1  }
0x2: {  	[smem:$0x3F9F] =	sst lr;
	_ =	strace $0xD0000000  }
0x3: {  	_ = 	snop  }
0x4: {  	_ = 	snop  }
0x5: {  	_ = 	snop  }
0x6: {  	_ = 	snop  }
0x7: {  	_ = 	snop  }
__scs_overlays_trampoline_lowered:
0x8: {  	[smem:$0x3FAE] =	sst s0  }
0x9: {  	[smem:$0x3FAF] =	sst s1  }
0xa: {  	[smem:$0x3FB0] =	sst s2  }
0xb: {  	[smem:$0x3FB1] =	sst s3  }
0xc: {  	[smem:$0x3FB2] =	sst s4  }
0xd: {  	[smem:$0x3FB3] =	sst s5  }
0xe: {  	[smem:$0x3FB4] =	sst s6  }
0xf: {  	[smem:$0x3FB5] =	sst s7  }
0x10: {  	[smem:$0x3FB6] =	sst s8  }
0x11: {  	[smem:$0x3FB7] =	sst s9;
	s0 =	simm.s32 @!p0 $0x0  }
0x12: {  	s1 =	sld [smem:$0x3F9D];
	s0 =	simm.s32 @p0 $0x1  }
0x13: {  	[smem:$0x3FB8] =	sst s0;
	s0 =	simm.s32 @!p1 $0x0  }
0x14: {  	s2 =	sld [smem:$0x3F9C];
	s0 =	simm.s32 @p1 $0x1  }
0x15: {  	[smem:$0x3FB9] =	sst s0;
	s0 =	simm.s32 @!p2 $0x0  }
0x16: {  	s3 =	sld [smem:$0x3FDB];
	s0 =	simm.s32 @p2 $0x1  }
0x17: {  	s4 =	simm.s32 $0x1BF5;
	[smem:$0x3FBB] =	sst s0  }
0x18: {  	s0 =	sld [smem:$0x3F9E];
	_ =	swait.ge [sflag:s4], $0x0  }
0x19: {  	s7 =	sld [smem:$0x3F9F]  }
0x1a: {  	s8 =	sadd.s32 $0xFFFFE003, lr  }
0x1b: {  	s9 =	sadd.s32 $0xFFFFFEF7, lr;
	s5 =	simm.s32 $0xFFFFFFFF;
	p2 =	slt.u32 s8, $0xFFFFF086  }
0x1c: {  	p1 =	slt.u32 s9, $0xF7A;
	s5 =	simm.s32 @!p2 $0x0  }
0x1d: {  	s5 =	simm.s32 @p1 $0x1;
	p0 =	seq.s32 s7, s2  }
0x1e: {  	s7 =	smul.u32 @!p0 $0xF7A, s2;
	p2 =	seq.s32 @!p0 s5, $0x0  }
0x1f: {  	s9 =	smul.u32 $0xF7A, s1;
	s8 =	simm.s32 @!p0 $0x1BF5;
	p2 =	por !p2, p0  }
0x20: {  	[sflag:s8] =	ssyncset.s32 @!p0 $0xFFFFF086;
	s6 =	sadd.s32 @!p0 s3, s7;
	s7 =	simm.s32 @!p0 $0x108  }
0x21: {  	s3 =	sadd.s32 s3, s9;
	s6 =	sadd.s32 @!p0 $0x88, s6;
	s7 =	simm.s32 @p2 $0x1082  }
0x22: {  	[simem:s7], [sflag:s8] =	dma.local @!p0 [hbm:s6], $0xF7A  }
0x23: {  	s9 =	sor.u32 $0xD0000000, s2;
	s6 =	simm.s32 $0x108;
	_ =	swait.ge @!p0 [sflag:s8], $0x0  }
0x24: {  	s3 =	sadd.s32 $0x88, s3;
	s6 =	simm.s32 @!p1 $0x1082;
	[sflag:s4] =	ssyncset.s32 $0xFFFFF086  }
0x25: {  	[simem:s6], [sflag:s4] =	dma.local [hbm:s3], $0xF7A  }
0x26: {  	[smem:$0x3F9F] =	sst s1;
	(tag) =	ssettag s2;
	_ =	strace s9  }
0x27: {  	s1 =	sld [smem:$0x3FAF]  }
0x28: {  	s2 =	sld [smem:$0x3FB0]  }
0x29: {  	s4 =	sld [smem:$0x3FB2]  }
0x2a: {  	p0 =	seq.s32 s5, $0x0;
	s5 =	sld [smem:$0x3FB3]  }
0x2b: {  	s6 =	sld [smem:$0x3FB4]  }
0x2c: {  	s7 =	sld [smem:$0x3FB5]  }
0x2d: {  	s3 =	simm.s32 $0x108;
	s8 =	sld [smem:$0x3FB6]  }
0x2e: {  	s3 =	simm.s32 @!p0 $0x1082;
	s9 =	sld [smem:$0x3FB7]  }
0x2f: {  	lr =	sadd.s32 s0, s3;
	s0 =	sld [smem:$0x3FAE]  }
0x30: {  	s3 =	sld [smem:$0x3FB1]  }
0x31: {  	[smem:$0x3FBA] =	sst s10  }
0x32: {  	s10 =	sld [smem:$0x3FB8];
	_ =	sdelay $0x3  }
0x33: {  	p0 =	seq.s32 s10, $0x1;
	s10 =	sld [smem:$0x3FBA];
	_ =	sdelay $0x3  }
0x34: {  	[smem:$0x3FBA] =	sst s10  }
0x35: {  	s10 =	sld [smem:$0x3FB9];
	_ =	sdelay $0x3  }
0x36: {  	p1 =	seq.s32 s10, $0x1;
	s10 =	sld [smem:$0x3FBA];
	_ =	sdelay $0x3  }
0x37: {  	[smem:$0x3FBA] =	sst s10  }
0x38: {  	s10 =	sld [smem:$0x3FBB]  }
0x39: {  	_ = 	snop;
	(pc) =	sbr.ind lr, $3  }
0x3a: {  	_ = 	snop  }
0x3b: {  	_ = 	snop  }
0x3c: {  	p2 =	seq.s32 s10, $0x1;
	s10 =	sld [smem:$0x3FBA]  }
0x3d: {  	_ =	shalt  }
0x3e: {  	_ =	shalt  }
0x3f: {  	_ =	shalt  }
0x40: {  	_ =	shalt  }
0x41: {  	_ =	shalt  }
0x42: {  	_ =	shalt  }
0x43: {  	_ =	shalt  }
0x44: {  	_ =	shalt  }
0x45: {  	_ =	shalt  }
0x46: {  	_ =	shalt  }
0x47: {  	_ =	shalt  }
0x48: {  	_ =	shalt  }
0x49: {  	_ =	shalt  }
0x4a: {  	_ =	shalt  }
0x4b: {  	_ =	shalt  }
0x4c: {  	_ =	shalt  }
0x4d: {  	_ =	shalt  }
0x4e: {  	_ =	shalt  }
0x4f: {  	_ =	shalt  }
0x50: {  	_ =	shalt  }
0x51: {  	_ =	shalt  }
0x52: {  	_ =	shalt  }
0x53: {  	_ =	shalt  }
0x54: {  	_ =	shalt  }
0x55: {  	_ =	shalt  }
0x56: {  	_ =	shalt  }
0x57: {  	_ =	shalt  }
0x58: {  	_ =	shalt  }
0x59: {  	_ =	shalt  }
0x5a: {  	_ =	shalt  }
0x5b: {  	_ =	shalt  }
0x5c: {  	_ =	shalt  }
0x5d: {  	_ =	shalt  }
0x5e: {  	_ =	shalt  }
0x5f: {  	_ =	shalt  }
0x60: {  	_ =	shalt  }
0x61: {  	_ =	shalt  }
0x62: {  	_ =	shalt  }
0x63: {  	_ =	shalt  }
0x64: {  	_ =	shalt  }
0x65: {  	_ =	shalt  }
0x66: {  	_ =	shalt  }
0x67: {  	_ =	shalt  }
0x68: {  	_ =	shalt  }
0x69: {  	_ =	shalt  }
0x6a: {  	_ =	shalt  }
0x6b: {  	_ =	shalt  }
0x6c: {  	_ =	shalt  }
0x6d: {  	_ =	shalt  }
0x6e: {  	_ =	shalt  }
0x6f: {  	_ =	shalt  }
0x70: {  	_ =	shalt  }
0x71: {  	_ =	shalt  }
0x72: {  	_ =	shalt  }
0x73: {  	_ =	shalt  }
0x74: {  	_ =	shalt  }
0x75: {  	_ =	shalt  }
0x76: {  	_ =	shalt  }
0x77: {  	_ =	shalt  }
0x78: {  	_ =	shalt  }
0x79: {  	_ =	shalt  }
0x7a: {  	_ =	shalt  }
0x7b: {  	_ =	shalt  }
0x7c: {  	_ =	shalt  }
0x7d: {  	_ =	shalt  }
0x7e: {  	_ =	shalt  }
0x7f: {  	_ =	shalt  }
0x80: {  	_ =	shalt  }
0x81: {  	_ =	shalt  }
0x82: {  	_ =	shalt  }
0x83: {  	_ =	shalt  }
0x84: {  	_ =	shalt  }
0x85: {  	_ =	shalt  }
0x86: {  	_ =	shalt  }
0x87: {  	_ =	shalt  }
.Lfunc_end0:
.L_simem_size_0:
called_computation_lowered:
.L_overlay_start_0:
0x88: {  	s2 =	sld [smem:$0x3FD9]  }
0x89: {  	s3 =	sld [smem:$0x3FFE];
	_ =	sdelay $0x1  }
0x8a: {  	s1 =	srdreg.scid  }
0x8b: {  	s0 =	sand.u32 $0x1, s1  }
0x8c: {  	s17 =	sshll.u32 s0, $0xA;
	s2 =	sadd.s32 s3, s2  }
0x8d: {  	s2 =	sadd.s32 s2, s17  }
0x8e: {  	[smem:$0x3FC6] =	sst s2  }
0x8f: {  	_ = 	snop  }
0x90: {  	s2 =	sld [smem:$0x3FD0];
	(tm) =	ssettm $0x1  }
0x91: {  	s18 =	sld [smem:$0x3FFB];
	_ =	sdelay $0x3  }
0x92: {  	_ =	strace s18  }
0x93: {  	s3 =	sld [smem:$0x3FFC];
	_ =	sdelay $0x3  }
0x94: {  	_ =	strace s3  }
0x95: {  	s3 =	sld [smem:$0x3FFD];
	_ =	sdelay $0x3  }
0x96: {  	_ =	strace s3  }
0x97: {  	_ =	strace $0x8FFFFFFF  }
0x98: {  	s19 =	sld [smem:$0x3FDB];
	_ =	sdelay $0x1  }
0x99: {  	s4 =	simm.s32 $_scs_section_size  }
0x9a: {  	s5 =	simm.s32 $_size__tile_overlayer_lowered;
	s6 =	simm.s32 $_tile_overlayer_lowered  }
0x9b: {  	s22 =	simm.s32 $0x1BFF;
	s21 =	sshll.u32 s6, $0x1;
	s3 =	sadd.s32 s4, s19  }
0x9c: {  	s7 =	simm.s32 $0x0;
	s20 =	sshll.u32 s5, $0x1;
	s5 =	sadd.s32 s21, s3  }
0x9d: {  	[timem:s7], [sflag:s22] =	dma.local [hbm:s5], s20  }
0x9e: {  	_ =	swait.ge [sflag:s22], s20  }
0x9f: {  	s4 =	ssub.s32 $0x0, s20;
	[sflag:s22] =	ssyncset.done $0x0  }
0xa0: {  	[sflag:s22] =	ssyncadd.s32 s4;
	_ =	sdelay $0x1  }
0xa1: {  	s23 =	simm.s32 $0x1B8B  }
0xa2: {  	_ =	swait.ge [sflag:s23], $0x1  }
0xa3: {  	[sflag:s23] =	ssyncset.done $0x0  }
0xa4: {  	s25 =	simm.s32 $0x1B8E;
	s24 =	sld [smem:$0x3FFE];
	[sflag:s23] =	ssyncadd.s32 $0xFFFFFFFF  }
0xa5: {  	s26 =	simm.s32 $execute0_lowered;
	[smem:$0x3FD2] =	sst s25  }
0xa6: {  	s5 =	sshll.u32 s26, $0x1;
	_ =	strace $0x80000046;
	[dreg:$0x1] =	wrdreg $0xFFFFFFFF  }
0xa7: {  	s28 =	simm.s32 $_size_execute0_lowered;
	s3 =	sadd.s32 s3, s5;
	[dreg:$0x0] =	wrdreg $0x0  }
0xa8: {  	s5 =	sshll.u32 s28, $0x1;
	[dreg:$0x2] =	wrdreg s3  }
0xa9: {  	[dreg:$0x3] =	wrdreg s5  }
0xaa: {  	[dreg:$0x4] =	wrdreg $0xC0  }
0xab: {  	_ =	task [dreg:s7], $0x5FFFF  }
0xac: {  	[dreg:$0x1] =	wrdreg $0xFFFFFFFF  }
0xad: {  	[dreg:$0x0] =	wrdreg $0x60  }
0xae: {  	[dreg:$0x2] =	wrdreg s24  }
0xaf: {  	[dreg:$0x3] =	wrdreg s2  }
0xb0: {  	[dreg:$0x4] =	wrdreg $0x9  }
0xb1: {  	_ =	task.clear_ibuf [dreg:s7], $0x5FFFF;
	_ =	strace $0x90000046  }
0xb2: {  	s29 =	simm.s32 $0x9;
	_ =	strace $0x80000048  }
0xb3: {  	_ =	swait.ge [sflag:s29], $0x1  }
0xb4: {  	[sflag:s29] =	ssyncadd.s32 $0xFFFFFFFF  }
0xb5: {  	_ =	strace $0x90000048  }
0xb6: {  	_ =	sfence  }
0xb7: {  	s30 =	sld [smem:$0x0];
	_ =	sdelay $0x2  }
0xb8: {  	s31 =	sshll.u32 s1, $0xD;
	s1 =	sshrl.u32 s1, $0x2  }
0xb9: {  	s3 =	sand.u32 $0x4000, s31;
	s1 =	sadd.s32 s1, s30  }
0xba: {  	s0 =	sor.u32 s3, s0;
	s1 =	sshll.u32 s1, $0x11  }
0xbb: {  	s0 =	sor.u32 s1, s0  }
0xbc: {  	s0 =	sadd.s32 $0x8F2B, s0  }
0xbd: {  	[sflag:s0] =	ssyncadd.remote.s32 $0x1  }
0xbe: {  	_ =	sfence.sel $0xFFFF  }
0xbf: {  	[dreg:$0x0] =	wrdreg $0xFFFFFFFF;
	(pc) =	sbr.abs _section_cstart, $3  }
0xc0: {  	[dreg:$0x1] =	wrdreg $0xFFFFFFFF  }
0xc1: {  	_ =	task.clear_ibuf [dreg:s7], $0x2FFFF;
	_ =	strace $0x9FFFFFFF  }
0xc2: {  	(tm) =	ssettm $0x7FFFFFFF  }
0xc3: {  	_ =	shalt  }
tec
execute0_lowered:
.L_overlay_start_1:
0x0: {  	(tag) =	ssettag $0x1  }
0x1: {  	s5 =	rddreg [dreg:$0x0]  }
0x2: {  	s6 =	rddreg [dreg:$0x1]  }
0x3: {  	s0 =	rddreg [dreg:$0x2];
	s1 =	simm.s32 $0x0  }
0x4: {  	s2 =	srdreg.scid;
	s10 =	simm.s32 $0x1;
	s11 =	simm.s32 $0x1000  }
0x5: {  	s12 =	simm.s32 $0x20000;
	s13 =	simm.s32 $0x2200;
	[smem:$0x7FF] =	sst s1  }
0x6: {  	s3 =	sand.u32 $0x1, s2;
	s2 =	stileid.u32;
	_ =	strace $0x80000047  }
0x7: {  	s4 =	ssub.s32 $0x2, s3;
	s8 =	sshll.u32 s2, $0xA;
	s9 =	sshll.u32 s3, $0x9  }
0x8: {  	s3 =	sadd.s32 $0x600, s5;
	s5 =	sadd.s32 $0x27ACA00, s5;
	s7 =	sshrl.u32 s4, $0x1  }
0x9: {  	v0 =	vlaneseq.u32;
	s7 =	ssub.s32 s4, s7;
	s4 =	sor.u32 s9, s8;
	s8 =	simm.s32 $0x2  }
0xa: {  	v0 =	vmul.u32 $0x10, v0;
	s9 =	simm.s32 $0x200;
	s6 =	sadd.s32 s6, s4;
	s7 =	smax.u32 s7, $0x1  }
.LBB2_1:
0xb: {  	s14 =	simm.s32 $0x0  }
.LBB2_2:
0xc: {  	s15 =	sshll.u32 s14, $0xE  }
0xd: {  	s15 =	sor.u32 s4, s15  }
0xe: {  	s15 =	sshrl.u32 s15, $0x3  }
0xf: {  	s16 =	simm.s32 $0x0;
	s15 =	sadd.s32 s3, s15  }
0x10: {  	[tilespmem:s16], [sflag:$0x2] =	stream.linear.gather [hbm4b:s15+s16], $0x200, $0x38;
	[tilespmem:$0x4200] =	vst v63  }
0x11: {  	s31 =	smul.u32 $0x186A0, s14;
	_ =	swait.ge [sflag:s8], $0x200  }
0x12: {  	[sflag:s8] =	ssyncset.done $0x0  }
0x13: {  	v1 =	vmov s31;
	s15 =	simm.s32 $0x0;
	s16 =	simm.s32 $0x40;
	[sflag:s8] =	ssyncadd.s32 $0xFFFFFE00  }
.LBB2_3:
0x14: {  	p0 =	sne.s32 s16, $0x7C0;
	v2 =	vld [tilespmem:s15+$0x0];
	_ =	sdelay $0x1  }
.Ltmp0:
0x15: {  	(pc) =	sbr.rel @p0 .LBB2_3-.Ltmp0, $3  }
0x16: {  	_ =	sdelay $0x1  }
0x17: {  	v2 =	vadd.s32 v1, v2  }
0x18: {  	[tilespmem:s15+$0x0] =	vst v2;
	s15 =	sshra.s32 s16, $0x2;
	s16 =	sadd.s32 $0x40, s16  }
0x19: {  	v2 =	vld [tilespmem:s15+$0x0];
	_ =	sdelay $0x2  }
0x1a: {  	s16 =	simm.s32 $0x0  }
0x1b: {  	v3 =	vmov s16  }
0x1c: {  	v1 =	vadd.s32 v1, v2;
	v2 =	vshll.u32 v3, $0x4  }
0x1d: {  	[tilespmem:s15+$0x0] =	vst v1;
	v1 =	vor.u32 v0, v2  }
0x1e: {  	[tilespmem:s9], [sflag:$0x1] =	stream.indirect.gather [hbm4b:s5+s9], $0x10, s16, s9, $0xb8;
	[tilespmem:$0x4200] =	vst v63  }
0x1f: {  	_ =	swait.ge [sflag:s10], $0x2000  }
0x20: {  	[sflag:s10] =	ssyncset.done $0x0  }
0x21: {  	[sflag:s10] =	ssyncadd.s32 $0xFFFFE000  }
0x22: {  	v2 =	vld.idx.msk [tilespmem:v1+s9+$0x0], $0xffff  }
0x23: {  	v3 =	vor.u32 $0x1, v1;
	_ =	sdelay $0x1  }
0x24: {  	s31 =	sand.u32 $0x70, s16;
	s16 =	sand.u32 $0xC00, s16  }
0x25: {  	s15 =	sor.u32 s31, s16  }
0x26: {  	[tilespmem:s15+$0x2200] =	vst v2  }
0x27: {  	v2 =	vld.idx.msk [tilespmem:v3+s9+$0x0], $0xffff  }
0x28: {  	v3 =	vor.u32 $0x2, v1;
	_ =	sdelay $0x3  }
0x29: {  	[tilespmem:s15+$0x2280] =	vst v2  }
0x2a: {  	v2 =	vld.idx.msk [tilespmem:v3+s9+$0x0], $0xffff  }
0x2b: {  	v3 =	vor.u32 $0x3, v1;
	_ =	sdelay $0x3  }
0x2c: {  	[tilespmem:s15+$0x2300] =	vst v2  }
0x2d: {  	v2 =	vld.idx.msk [tilespmem:v3+s9+$0x0], $0xffff  }
0x2e: {  	v3 =	vor.u32 $0x4, v1;
	_ =	sdelay $0x3  }
0x2f: {  	[tilespmem:s15+$0x2380] =	vst v2  }
0x30: {  	v2 =	vld.idx.msk [tilespmem:v3+s9+$0x0], $0xffff  }
0x31: {  	v3 =	vor.u32 $0x5, v1;
	_ =	sdelay $0x3  }
0x32: {  	[tilespmem:s15+$0x2400] =	vst v2  }
0x33: {  	v2 =	vld.idx.msk [tilespmem:v3+s9+$0x0], $0xffff  }
0x34: {  	v3 =	vor.u32 $0x6, v1;
	_ =	sdelay $0x3  }
0x35: {  	[tilespmem:s15+$0x2480] =	vst v2  }
0x36: {  	v2 =	vld.idx.msk [tilespmem:v3+s9+$0x0], $0xffff  }
0x37: {  	v3 =	vor.u32 $0x7, v1;
	_ =	sdelay $0x3  }
0x38: {  	[tilespmem:s15+$0x2500] =	vst v2  }
0x39: {  	v2 =	vld.idx.msk [tilespmem:v3+s9+$0x0], $0xffff  }
0x3a: {  	v3 =	vor.u32 $0x8, v1;
	_ =	sdelay $0x3  }
0x3b: {  	[tilespmem:s15+$0x2580] =	vst v2  }
0x3c: {  	v2 =	vld.idx.msk [tilespmem:v3+s9+$0x0], $0xffff  }
0x3d: {  	v3 =	vor.u32 $0x9, v1;
	_ =	sdelay $0x3  }
0x3e: {  	[tilespmem:s15+$0x3200] =	vst v2  }
0x3f: {  	v2 =	vld.idx.msk [tilespmem:v3+s9+$0x0], $0xffff  }
0x40: {  	v3 =	vor.u32 $0xA, v1;
	_ =	sdelay $0x3  }
0x41: {  	[tilespmem:s15+$0x3280] =	vst v2  }
0x42: {  	v2 =	vld.idx.msk [tilespmem:v3+s9+$0x0], $0xffff  }
0x43: {  	v3 =	vor.u32 $0xB, v1;
	_ =	sdelay $0x3  }
0x44: {  	[tilespmem:s15+$0x3300] =	vst v2  }
0x45: {  	v2 =	vld.idx.msk [tilespmem:v3+s9+$0x0], $0xffff  }
0x46: {  	v3 =	vor.u32 $0xC, v1;
	_ =	sdelay $0x3  }
0x47: {  	[tilespmem:s15+$0x3380] =	vst v2  }
0x48: {  	v2 =	vld.idx.msk [tilespmem:v3+s9+$0x0], $0xffff  }
0x49: {  	v3 =	vor.u32 $0xD, v1;
	_ =	sdelay $0x3  }
0x4a: {  	[tilespmem:s15+$0x3400] =	vst v2  }
0x4b: {  	v2 =	vld.idx.msk [tilespmem:v3+s9+$0x0], $0xffff  }
0x4c: {  	v3 =	vor.u32 $0xE, v1;
	_ =	sdelay $0x3  }
0x4d: {  	[tilespmem:s15+$0x3480] =	vst v2  }
0x4e: {  	v2 =	vld.idx.msk [tilespmem:v3+s9+$0x0], $0xffff  }
0x4f: {  	v3 =	vor.u32 $0xF, v1;
	_ =	sdelay $0x3  }
0x50: {  	s16 =	simm.s32 $0x10;
	[tilespmem:s15+$0x3500] =	vst v2  }
0x51: {  	s17 =	simm.s32 $0x80;
	s18 =	simm.s32 $0x100;
	v1 =	vmov s16;
	v2 =	vld.idx.msk [tilespmem:v3+s9+$0x0], $0xffff  }
.LBB2_5:
0x52: {  	p0 =	sne.s32 s18, $0xF80;
	v1 =	vshll.u32 v1, $0x4  }
0x53: {  	v1 =	vor.u32 v0, v1;
	_ =	sdelay $0x3  }
0x54: {  	[tilespmem:s15+$0x3580] =	vst v2  }
0x55: {  	v2 =	vld.idx.msk [tilespmem:v1+s9+$0x0], $0xffff;
	_ =	sdelay $0x1  }
0x56: {  	v3 =	vor.u32 $0x1, v1;
	_ =	sdelay $0x1  }
0x57: {  	s19 =	sand.u32 $0xC00, s17;
	s17 =	smov.u32 s18;
	s15 =	sand.u32 $0x70, s16  }
0x58: {  	s15 =	sor.u32 s15, s19  }
0x59: {  	[tilespmem:s15+$0x2200] =	vst v2  }
0x5a: {  	v2 =	vld.idx.msk [tilespmem:v3+s9+$0x0], $0xffff;
	_ =	sdelay $0x1  }
0x5b: {  	v3 =	vor.u32 $0x2, v1;
	_ =	sdelay $0x3  }
0x5c: {  	[tilespmem:s15+$0x2280] =	vst v2  }
0x5d: {  	v2 =	vld.idx.msk [tilespmem:v3+s9+$0x0], $0xffff;
	_ =	sdelay $0x1  }
0x5e: {  	v3 =	vor.u32 $0x3, v1;
	_ =	sdelay $0x3  }
0x5f: {  	[tilespmem:s15+$0x2300] =	vst v2  }
0x60: {  	v2 =	vld.idx.msk [tilespmem:v3+s9+$0x0], $0xffff;
	_ =	sdelay $0x1  }
0x61: {  	v3 =	vor.u32 $0x4, v1;
	_ =	sdelay $0x3  }
0x62: {  	[tilespmem:s15+$0x2380] =	vst v2  }
0x63: {  	v2 =	vld.idx.msk [tilespmem:v3+s9+$0x0], $0xffff;
	_ =	sdelay $0x1  }
0x64: {  	v3 =	vor.u32 $0x5, v1;
	_ =	sdelay $0x3  }
0x65: {  	[tilespmem:s15+$0x2400] =	vst v2  }
0x66: {  	v2 =	vld.idx.msk [tilespmem:v3+s9+$0x0], $0xffff;
	_ =	sdelay $0x1  }
0x67: {  	v3 =	vor.u32 $0x6, v1;
	_ =	sdelay $0x3  }
0x68: {  	[tilespmem:s15+$0x2480] =	vst v2  }
0x69: {  	v2 =	vld.idx.msk [tilespmem:v3+s9+$0x0], $0xffff;
	_ =	sdelay $0x1  }
0x6a: {  	v3 =	vor.u32 $0x7, v1;
	_ =	sdelay $0x3  }
0x6b: {  	[tilespmem:s15+$0x2500] =	vst v2  }
0x6c: {  	v2 =	vld.idx.msk [tilespmem:v3+s9+$0x0], $0xffff;
	_ =	sdelay $0x1  }
0x6d: {  	v3 =	vor.u32 $0x8, v1;
	_ =	sdelay $0x3  }
0x6e: {  	[tilespmem:s15+$0x2580] =	vst v2  }
0x6f: {  	v2 =	vld.idx.msk [tilespmem:v3+s9+$0x0], $0xffff;
	_ =	sdelay $0x1  }
0x70: {  	v3 =	vor.u32 $0x9, v1;
	_ =	sdelay $0x3  }
0x71: {  	[tilespmem:s15+$0x3200] =	vst v2  }
0x72: {  	v2 =	vld.idx.msk [tilespmem:v3+s9+$0x0], $0xffff;
	_ =	sdelay $0x1  }
0x73: {  	v3 =	vor.u32 $0xA, v1;
	_ =	sdelay $0x3  }
0x74: {  	[tilespmem:s15+$0x3280] =	vst v2  }
0x75: {  	v2 =	vld.idx.msk [tilespmem:v3+s9+$0x0], $0xffff;
	_ =	sdelay $0x1  }
0x76: {  	v3 =	vor.u32 $0xB, v1;
	_ =	sdelay $0x3  }
0x77: {  	[tilespmem:s15+$0x3300] =	vst v2  }
0x78: {  	v2 =	vld.idx.msk [tilespmem:v3+s9+$0x0], $0xffff;
	_ =	sdelay $0x1  }
0x79: {  	v3 =	vor.u32 $0xC, v1;
	_ =	sdelay $0x3  }
0x7a: {  	[tilespmem:s15+$0x3380] =	vst v2  }
0x7b: {  	v2 =	vld.idx.msk [tilespmem:v3+s9+$0x0], $0xffff;
	_ =	sdelay $0x1  }
0x7c: {  	v3 =	vor.u32 $0xD, v1;
	_ =	sdelay $0x3  }
0x7d: {  	[tilespmem:s15+$0x3400] =	vst v2  }
0x7e: {  	v2 =	vld.idx.msk [tilespmem:v3+s9+$0x0], $0xffff;
	_ =	sdelay $0x1  }
0x7f: {  	v3 =	vor.u32 $0xE, v1;
	_ =	sdelay $0x3  }
0x80: {  	[tilespmem:s15+$0x3480] =	vst v2  }
0x81: {  	v2 =	vld.idx.msk [tilespmem:v3+s9+$0x0], $0xffff;
	_ =	sdelay $0x1  }
0x82: {  	v3 =	vor.u32 $0xF, v1  }
.Ltmp1:
0x83: {  	(pc) =	sbr.rel @p0 .LBB2_5-.Ltmp1, $3  }
0x84: {  	_ =	sdelay $0x1  }
0x85: {  	s16 =	sadd.s32 $0x10, s16;
	[tilespmem:s15+$0x3500] =	vst v2  }
0x86: {  	s18 =	sadd.s32 $0x80, s18;
	v1 =	vmov s16;
	v2 =	vld.idx.msk [tilespmem:v3+s9+$0x0], $0xffff  }
0x87: {  	v1 =	vshll.u32 v1, $0x4  }
0x88: {  	v1 =	vor.u32 v0, v1;
	_ =	sdelay $0x3  }
0x89: {  	[tilespmem:s15+$0x3580] =	vst v2  }
0x8a: {  	v2 =	vld.idx.msk [tilespmem:v1+s9+$0x0], $0xffff  }
0x8b: {  	v3 =	vor.u32 $0x1, v1;
	_ =	sdelay $0x1  }
0x8c: {  	s28 =	sand.u32 $0x70, s16;
	s29 =	sand.u32 $0xC00, s17  }
0x8d: {  	s15 =	sor.u32 s28, s29  }
0x8e: {  	[tilespmem:s15+$0x2200] =	vst v2  }
0x8f: {  	v2 =	vld.idx.msk [tilespmem:v3+s9+$0x0], $0xffff  }
0x90: {  	v3 =	vor.u32 $0x2, v1;
	_ =	sdelay $0x3  }
0x91: {  	[tilespmem:s15+$0x2280] =	vst v2  }
0x92: {  	v2 =	vld.idx.msk [tilespmem:v3+s9+$0x0], $0xffff  }
0x93: {  	v3 =	vor.u32 $0x3, v1;
	_ =	sdelay $0x3  }
0x94: {  	[tilespmem:s15+$0x2300] =	vst v2  }
0x95: {  	v2 =	vld.idx.msk [tilespmem:v3+s9+$0x0], $0xffff  }
0x96: {  	v3 =	vor.u32 $0x4, v1;
	_ =	sdelay $0x3  }
0x97: {  	[tilespmem:s15+$0x2380] =	vst v2  }
0x98: {  	v2 =	vld.idx.msk [tilespmem:v3+s9+$0x0], $0xffff  }
0x99: {  	v3 =	vor.u32 $0x5, v1;
	_ =	sdelay $0x3  }
0x9a: {  	[tilespmem:s15+$0x2400] =	vst v2  }
0x9b: {  	v2 =	vld.idx.msk [tilespmem:v3+s9+$0x0], $0xffff  }
0x9c: {  	v3 =	vor.u32 $0x6, v1;
	_ =	sdelay $0x3  }
0x9d: {  	[tilespmem:s15+$0x2480] =	vst v2  }
0x9e: {  	v2 =	vld.idx.msk [tilespmem:v3+s9+$0x0], $0xffff  }
0x9f: {  	v3 =	vor.u32 $0x7, v1;
	_ =	sdelay $0x3  }
0xa0: {  	[tilespmem:s15+$0x2500] =	vst v2  }
0xa1: {  	v2 =	vld.idx.msk [tilespmem:v3+s9+$0x0], $0xffff  }
0xa2: {  	v3 =	vor.u32 $0x8, v1;
	_ =	sdelay $0x3  }
0xa3: {  	[tilespmem:s15+$0x2580] =	vst v2  }
0xa4: {  	v2 =	vld.idx.msk [tilespmem:v3+s9+$0x0], $0xffff  }
0xa5: {  	v3 =	vor.u32 $0x9, v1;
	_ =	sdelay $0x3  }
0xa6: {  	[tilespmem:s15+$0x3200] =	vst v2  }
0xa7: {  	v2 =	vld.idx.msk [tilespmem:v3+s9+$0x0], $0xffff  }
0xa8: {  	v3 =	vor.u32 $0xA, v1;
	_ =	sdelay $0x3  }
0xa9: {  	[tilespmem:s15+$0x3280] =	vst v2  }
0xaa: {  	v2 =	vld.idx.msk [tilespmem:v3+s9+$0x0], $0xffff  }
0xab: {  	v3 =	vor.u32 $0xB, v1;
	_ =	sdelay $0x3  }
0xac: {  	[tilespmem:s15+$0x3300] =	vst v2  }
0xad: {  	v2 =	vld.idx.msk [tilespmem:v3+s9+$0x0], $0xffff  }
0xae: {  	v3 =	vor.u32 $0xC, v1;
	_ =	sdelay $0x3  }
0xaf: {  	[tilespmem:s15+$0x3380] =	vst v2  }
0xb0: {  	v2 =	vld.idx.msk [tilespmem:v3+s9+$0x0], $0xffff  }
0xb1: {  	v3 =	vor.u32 $0xD, v1;
	_ =	sdelay $0x3  }
0xb2: {  	[tilespmem:s15+$0x3400] =	vst v2  }
0xb3: {  	v2 =	vld.idx.msk [tilespmem:v3+s9+$0x0], $0xffff  }
0xb4: {  	v3 =	vor.u32 $0xE, v1;
	_ =	sdelay $0x3  }
0xb5: {  	[tilespmem:s15+$0x3480] =	vst v2  }
0xb6: {  	v2 =	vld.idx.msk [tilespmem:v3+s9+$0x0], $0xffff  }
0xb7: {  	v1 =	vor.u32 $0xF, v1;
	_ =	sdelay $0x3  }
0xb8: {  	[tilespmem:s15+$0x3500] =	vst v2  }
0xb9: {  	v1 =	vld.idx.msk [tilespmem:v1+s9+$0x0], $0xffff;
	_ =	sdelay $0x2  }
0xba: {  	s30 =	sshll.u32 s14, $0xF;
	s14 =	sadd.s32 $0x1, s14  }
0xbb: {  	p0 =	sne.s32 s14, $0x1A  }
.Ltmp2:
0xbc: {  	s31 =	sadd.s32 s30, s6;
	[tilespmem:s15+$0x3580] =	vst v1;
	(pc) =	sbr.rel @p0 .LBB2_2-.Ltmp2, $4  }
0xbd: {  	[hbm4b:s31+s11] =	stream.strided.scatter [tilespmem:s13], [sflag:$0x2], $0x2000, s12, s11, $0x38;
	[tilespmem:$0x4200] =	vst v63  }
0xbe: {  	_ =	swait.ge [sflag:s8], $0x2000  }
0xbf: {  	[sflag:s8] =	ssyncset.done $0x0  }
0xc0: {  	[sflag:s8] =	ssyncadd.s32 $0xFFFFE000  }
0xc1: {  	s1 =	sadd.s32 $0x1, s1  }
0xc2: {  	p0 =	sne.s32 s1, s7  }
.Ltmp3:
0xc3: {  	_ = 	snop;
	(pc) =	sbr.rel @p0 .LBB2_1-.Ltmp3, $1  }
0xc4: {  	_ =	sdelay $0x3  }
0xc5: {  	_ =	sfence.sel $0x180000  }
0xc6: {  	[bflag:$0x0] =	sbarrier.arrive $0xFFFF  }
0xc7: {  	p0 =	sne.s32 s2, $0x0;
	_ =	strace $0x90000047  }
0xc8: {  	s0 =	sadd.s32 @!p0 $0x100000, s0;
	[bflag:$0x2] =	sbarrier.arrive $0xFFFF  }
0xc9: {  	[sflag:s0] =	ssyncadd.tile.s32 @!p0 $0x1;
	_ =	shalt  }
.Lfunc_end2:
_tile_overlayer_lowered:
.L_overlay_start_2:
0xca: {  	(tag) =	ssettag $0x2  }
0xcb: {  	s0 =	rddreg [dreg:$0x0];
	s2 =	stileid.u32  }
0xcc: {  	s1 =	rddreg [dreg:$0x1];
	p0 =	sne.s32 s2, $0x0  }
0xcd: {  	s3 =	rddreg [dreg:$0x2];
	[bflag:$0x3] =	sbarrier.arrive $0xFFFF;
	s2 =	simm.s32 @!p0 $0x1C02  }
0xce: {  	[timem:s3], [sflag:s2] =	dma.local @!p0 [hbm:s0], s1  }
0xcf: {  	s0 =	simm.s32 @!p0 $0x2  }
0xd0: {  	_ =	swait.ge @!p0 [sflag:s0], s1  }
0xd1: {  	s1 =	ssub.s32 @!p0 $0x0, s1;
	[sflag:s0] =	ssyncset.done @!p0 $0x0  }
0xd2: {  	[sflag:s0] =	ssyncadd.s32 @!p0 s1  }
0xd3: {  	[bflag:$0x3] =	sbarrier.arrive $0xFFFF  }
0xd4: {  	_ =	shalt  }

</sc_bundles>
